<compile_context>
chip_gen: v7x
topology: tpu7x:2x2x1
jax: 0.10.2.dev20260603
libtpu: 0.0.44.dev20260713+nightly
codegen_flags: <defaults>
</compile_context>

<pallas_src>
import functools

import jax
import jax.numpy as jnp
from jax import lax
from jax.experimental import pallas as pl
from jax.experimental.pallas import tpu as pltpu
from jax.experimental.pallas import tpu_sc as plsc

_ALPHA = 0.5


def _make_gather(C, D, B):
    NC, NS = 2, 16
    NW = NC * NS
    b_per_w = B // NW
    mesh = plsc.VectorSubcoreMesh(core_axis_name="c", subcore_axis_name="s")

    @functools.partial(
        pl.kernel,
        out_type=jax.ShapeDtypeStruct((B, D), jnp.float32),
        mesh=mesh,
        scratch_types=[
            pltpu.VMEM((b_per_w,), jnp.int32),
            pltpu.VMEM((b_per_w, D), jnp.float32),
            pltpu.SemaphoreType.DMA,
        ],
    )
    def gather_k(centers_hbm, idx_hbm, out_hbm, idx_v, rows_v, sem):
        wid = lax.axis_index("s") * NC + lax.axis_index("c")
        base = wid * b_per_w
        pltpu.sync_copy(idx_hbm.at[pl.ds(base, b_per_w)], idx_v)
        pltpu.async_copy(centers_hbm.at[idx_v], rows_v, sem).wait()
        pltpu.sync_copy(rows_v, out_hbm.at[pl.ds(base, b_per_w)])

    return gather_k


_BI = 512
_BR = 10000
_NLEAD = 2


def _lead_body(src_ref, dst_ref):
    dst_ref[...] = src_ref[...]


def _tc_lead_copy(centers):
    C, D = centers.shape
    return pl.pallas_call(
        _lead_body,
        grid=(_NLEAD,),
        in_specs=[pl.BlockSpec((_BR, D), lambda i: (i, 0))],
        out_specs=pl.BlockSpec((_BR, D), lambda i: (i, 0)),
        out_shape=jax.ShapeDtypeStruct((C, D), jnp.float32),
    )(centers)


def _fused_body(lcol_ref, lrow_ref, f_ref, cb_ref, src_ref, tbl_in_ref,
                res_ref, u_ref, dst_ref):
    i = pl.program_id(0)
    nmb = f_ref.shape[0] // _BI
    dst_ref[...] = src_ref[...]

    @pl.when(i < nmb)
    def _():
        lrow = lrow_ref[...]
        sl = pl.ds(i * _BI, _BI)
        lcol = lcol_ref[sl, :]
        eqf = (lcol == lrow).astype(jnp.float32)
        appear = jnp.sum(eqf, axis=1, keepdims=True)
        d_all = cb_ref[...] - f_ref[...]
        m = jax.lax.dot_general(
            eqf, d_all, (((1,), (0,)), ((), ())),
            preferred_element_type=jnp.float32)
        scale = _ALPHA / (1.0 + appear)
        cb_blk = cb_ref[sl, :]
        u_ref[sl, :] = cb_blk - scale * m
        r = f_ref[sl, :] - cb_blk
        res_ref[sl, :] = jnp.sum(r * r, axis=1, keepdims=True)


def _tc_fused(labels, features, cb, centers, table0):
    B, D = features.shape
    C = centers.shape[0]
    lcol = labels.reshape(B, 1)
    lrow = labels.reshape(1, B)
    return pl.pallas_call(
        _fused_body,
        grid=(C // _BR - _NLEAD,),
        in_specs=[
            pl.BlockSpec((B, 1), lambda i: (0, 0)),
            pl.BlockSpec((1, B), lambda i: (0, 0)),
            pl.BlockSpec((B, D), lambda i: (0, 0)),
            pl.BlockSpec((B, D), lambda i: (0, 0)),
            pl.BlockSpec((_BR, D), lambda i: (i + _NLEAD, 0)),
            pl.BlockSpec(memory_space=pl.ANY),
        ],
        out_specs=[
            pl.BlockSpec((B, 1), lambda i: (0, 0)),
            pl.BlockSpec((B, D), lambda i: (0, 0)),
            pl.BlockSpec((_BR, D), lambda i: (i + _NLEAD, 0)),
        ],
        out_shape=[
            jax.ShapeDtypeStruct((B, 1), jnp.float32),
            jax.ShapeDtypeStruct((B, D), jnp.float32),
            jax.ShapeDtypeStruct((C, D), jnp.float32),
        ],
        input_output_aliases={5: 2},
    )(lcol, lrow, features, cb, centers, table0)


def _make_scatter(C, D, B):
    NC, NS = 2, 16
    NW = NC * NS
    b_per_w = B // NW
    mesh = plsc.VectorSubcoreMesh(core_axis_name="c", subcore_axis_name="s")

    @functools.partial(
        pl.kernel,
        out_type=jax.ShapeDtypeStruct((b_per_w,), jnp.int32),
        mesh=mesh,
        scratch_types=[
            pltpu.VMEM((b_per_w,), jnp.int32),
            pltpu.VMEM((b_per_w, D), jnp.float32),
            pltpu.SemaphoreType.DMA,
        ],
        compiler_params=pltpu.CompilerParams(has_side_effects=True),
    )
    def scatter_k(table_hbm, idx_hbm, val_hbm, tok_hbm, idx_v, rows_v, sem):
        cid = lax.axis_index("c")
        sid = lax.axis_index("s")
        wid = sid * NC + cid
        base = wid * b_per_w
        pltpu.sync_copy(idx_hbm.at[pl.ds(base, b_per_w)], idx_v)
        pltpu.sync_copy(val_hbm.at[pl.ds(base, b_per_w)], rows_v)
        pltpu.async_copy(rows_v, table_hbm.at[idx_v], sem).wait()

        @pl.when(wid == 0)
        def _():
            pltpu.sync_copy(idx_v, tok_hbm)

    return scatter_k


def kernel(features, labels, centers):
    labels = labels.reshape(-1).astype(jnp.int32)
    features = features.astype(jnp.float32)
    B, D = features.shape
    C = centers.shape[0]

    table0 = _tc_lead_copy(centers)
    cb = _make_gather(C, D, B)(centers, labels)
    result, u, table = _tc_fused(labels, features, cb, centers, table0)
    tok = _make_scatter(C, D, B)(table, labels, u)
    table, _ = lax.optimization_barrier((table, tok))
    return (result, table)

# --- scband reference (transcript-rebuilt; emitter-appended) ---
"""Pipeline reference for scband-center-loss-layer-87522843560826 (READ-ONLY COPY).

The authoritative reference and input builder live on the scoring server;
editing this copy changes nothing except your own understanding.
"""

import jax, jax.numpy as jnp
import numpy as np

ALPHA = 0.5
NUM_CLASSES = 100000
FEAT_DIM = 128
BATCH = 4096


def setup_inputs(seed: int = 0) -> dict:
    key = jax.random.key(seed)
    k1, k2, k3 = jax.random.split(key, 3)
    features = jax.random.normal(k1, (BATCH, FEAT_DIM), dtype=jnp.float32)
    labels = jax.random.randint(k2, (BATCH,), 0, NUM_CLASSES, dtype=jnp.int32)
    # non-trainable 'centers' weight, uniform init like keras 'uniform' (RandomUniform -0.05..0.05)
    centers = jax.random.uniform(k3, (NUM_CLASSES, FEAT_DIM), minval=-0.05, maxval=0.05, dtype=jnp.float32)
    return {"features": features, "labels": labels, "centers": centers}


def reference(features, labels, centers):
    labels = labels.reshape(-1)
    features = features.astype(jnp.float32)
    # gather centers for each sample
    centers_batch = jnp.take(centers, labels, axis=0)
    # unique_with_counts -> appear_times per sample via bincount + gather
    counts = jnp.bincount(labels, length=NUM_CLASSES)
    appear_times = jnp.take(counts, labels).reshape(-1, 1)
    delta_centers = centers_batch - features
    delta_centers = delta_centers / (1.0 + appear_times.astype(jnp.float32))
    delta_centers = ALPHA * delta_centers
    # unsorted_segment_sum of deltas, then subtract from centers (the tf.while_loop
    # subtracts sum_deltas[label] for each unique label; labels that never appear
    # have zero sum, so this equals a full subtraction)
    sum_deltas = jax.ops.segment_sum(delta_centers, labels, num_segments=NUM_CLASSES)
    new_centers = centers - sum_deltas
    # result uses centers_batch gathered from the OLD centers (pre-update), as in TF
    result = jnp.sum(jnp.square(features - centers_batch), axis=1, keepdims=True)
    return (result, new_centers)

if __name__ == "__main__":
    import jax
    _d = setup_inputs()
    print(jax.jit(kernel)(*tuple(_d.values())))

</pallas_src>

<mosaic_0001>
#map = affine_map<(d0, d1) -> (0, 0)>
#map1 = affine_map<(d0, d1) -> (0)>
module attributes {stable_mosaic.version = 14 : i64} {
  func.func @gather_k(%arg0: i32, %arg1: i32, %arg2: memref<100000x128xf32, #tpu.memory_space<hbm>>, %arg3: memref<4096xi32, #tpu.memory_space<hbm>>, %arg4: memref<4096x128xf32, #tpu.memory_space<hbm>>, %arg5: memref<128xi32, #tpu.memory_space<vmem>>, %arg6: memref<128x128xf32, #tpu.memory_space<vmem>>, %arg7: memref<!tpu.dma_semaphore, #tpu.memory_space<semaphore_mem>>) attributes {dimension_semantics = [#tpu.dimension_semantics<core_parallel>, #tpu.dimension_semantics<subcore_parallel>], iteration_bounds = array<i64: 2, 16>, scalar_prefetch = 0 : i64, scratch_operands = 3 : i64, tpu.core_type = #tpu.core_type<sc_vector_subcore>, window_params = [{transform_indices = #map}, {transform_indices = #map1}, {transform_indices = #map}]} {
    %mul3A = arith.constant 2 : i32
    %mul3A_0 = arith.muli %arg1, %mul3A : i32
    %add3A = arith.addi %mul3A_0, %arg0 : i32
    %mul3A_1 = arith.constant 128 : i32
    %mul3A_2 = arith.muli %add3A, %mul3A_1 : i32
    "tpu.region"() ({
      %run_scoped3A = tpu.sem_alloc : memref<!tpu.dma_semaphore, #tpu.memory_space<semaphore_mem>>
      %dma_start3A_7 = tpu.memref_slice %arg3[%mul3A_2] : memref<4096xi32, #tpu.memory_space<hbm>> -> memref<128xi32, #tpu.memory_space<hbm>>
      %dma_start3A_8 = tpu.memref_slice %arg3[%mul3A_2] : memref<4096xi32, #tpu.memory_space<hbm>> -> memref<128xi32, #tpu.memory_space<hbm>>
      tpu.enqueue_dma source(%dma_start3A_8 : memref<128xi32, #tpu.memory_space<hbm>>) target(%arg5 : memref<128xi32, #tpu.memory_space<vmem>>) target_semaphore(%run_scoped3A : memref<!tpu.dma_semaphore, #tpu.memory_space<semaphore_mem>>)
      %dma_wait3A_9 = tpu.memref_slice %arg3[%mul3A_2] : memref<4096xi32, #tpu.memory_space<hbm>> -> memref<128xi32, #tpu.memory_space<hbm>>
      %dma_wait3A_10 = tpu.memref_slice %arg3[%mul3A_2] : memref<4096xi32, #tpu.memory_space<hbm>> -> memref<128xi32, #tpu.memory_space<hbm>>
      tpu.wait_dma2 semaphore(%run_scoped3A : memref<!tpu.dma_semaphore, #tpu.memory_space<semaphore_mem>>) src(%dma_wait3A_10 : memref<128xi32, #tpu.memory_space<hbm>>) dst(%arg5 : memref<128xi32, #tpu.memory_space<vmem>>)
      tpu.yield
    }) : () -> ()
    %dma_start3A = arith.constant 0 : i32
    %dma_start3A_3 = arith.constant 0 : i32
    %dma_start3A_4 = tpu.memref_slice %arg2[%dma_start3A, %dma_start3A_3] : memref<100000x128xf32, #tpu.memory_space<hbm>> -> memref<100000x128xf32, #tpu.memory_space<hbm>>
    tpu.enqueue_indirect_dma source(%dma_start3A_4 : memref<100000x128xf32, #tpu.memory_space<hbm>>) target(%arg6 : memref<128x128xf32, #tpu.memory_space<vmem>>) offsets(%arg5 : memref<128xi32, #tpu.memory_space<vmem>>) semaphore(%arg7 : memref<!tpu.dma_semaphore, #tpu.memory_space<semaphore_mem>>)
    %dma_wait3A = arith.constant 0 : i32
    %dma_wait3A_5 = arith.constant 0 : i32
    %dma_wait3A_6 = tpu.memref_slice %arg2[%dma_wait3A, %dma_wait3A_5] : memref<100000x128xf32, #tpu.memory_space<hbm>> -> memref<100000x128xf32, #tpu.memory_space<hbm>>
    tpu.wait_indirect_dma semaphore(%arg7 : memref<!tpu.dma_semaphore, #tpu.memory_space<semaphore_mem>>) src(%dma_wait3A_6 : memref<100000x128xf32, #tpu.memory_space<hbm>>) dst(%arg6 : memref<128x128xf32, #tpu.memory_space<vmem>>)
    "tpu.region"() ({
      %run_scoped3A = tpu.sem_alloc : memref<!tpu.dma_semaphore, #tpu.memory_space<semaphore_mem>>
      %dma_start3A_7 = arith.constant 0 : i32
      %dma_start3A_8 = tpu.memref_slice %arg4[%mul3A_2, %dma_start3A_7] : memref<4096x128xf32, #tpu.memory_space<hbm>> -> memref<128x128xf32, #tpu.memory_space<hbm>>
      %dma_start3A_9 = arith.constant 0 : i32
      %dma_start3A_10 = tpu.memref_slice %arg4[%mul3A_2, %dma_start3A_9] : memref<4096x128xf32, #tpu.memory_space<hbm>> -> memref<128x128xf32, #tpu.memory_space<hbm>>
      tpu.enqueue_dma source(%arg6 : memref<128x128xf32, #tpu.memory_space<vmem>>) target(%dma_start3A_10 : memref<128x128xf32, #tpu.memory_space<hbm>>) target_semaphore(%run_scoped3A : memref<!tpu.dma_semaphore, #tpu.memory_space<semaphore_mem>>)
      %dma_wait3A_11 = arith.constant 0 : i32
      %dma_wait3A_12 = tpu.memref_slice %arg4[%mul3A_2, %dma_wait3A_11] : memref<4096x128xf32, #tpu.memory_space<hbm>> -> memref<128x128xf32, #tpu.memory_space<hbm>>
      %dma_wait3A_13 = arith.constant 0 : i32
      %dma_wait3A_14 = tpu.memref_slice %arg4[%mul3A_2, %dma_wait3A_13] : memref<4096x128xf32, #tpu.memory_space<hbm>> -> memref<128x128xf32, #tpu.memory_space<hbm>>
      tpu.wait_dma2 semaphore(%run_scoped3A : memref<!tpu.dma_semaphore, #tpu.memory_space<semaphore_mem>>) src(%arg6 : memref<128x128xf32, #tpu.memory_space<vmem>>) dst(%dma_wait3A_14 : memref<128x128xf32, #tpu.memory_space<hbm>>)
      tpu.yield
    }) : () -> ()
    return
  }
}

#map = affine_map<(d0, d1) -> (0, 0)>
#map1 = affine_map<(d0, d1) -> (0)>
module attributes {stable_mosaic.version = 14 : i64} {
  func.func @scatter_k(%arg0: i32, %arg1: i32, %arg2: memref<100000x128xf32, #tpu.memory_space<hbm>>, %arg3: memref<4096xi32, #tpu.memory_space<hbm>>, %arg4: memref<4096x128xf32, #tpu.memory_space<hbm>>, %arg5: memref<128xi32, #tpu.memory_space<hbm>>, %arg6: memref<128xi32, #tpu.memory_space<vmem>>, %arg7: memref<128x128xf32, #tpu.memory_space<vmem>>, %arg8: memref<!tpu.dma_semaphore, #tpu.memory_space<semaphore_mem>>) attributes {dimension_semantics = [#tpu.dimension_semantics<core_parallel>, #tpu.dimension_semantics<subcore_parallel>], iteration_bounds = array<i64: 2, 16>, scalar_prefetch = 0 : i64, scratch_operands = 3 : i64, tpu.core_type = #tpu.core_type<sc_vector_subcore>, window_params = [{transform_indices = #map}, {transform_indices = #map1}, {transform_indices = #map}, {transform_indices = #map1}]} {
    %mul3A = arith.constant 2 : i32
    %mul3A_0 = arith.muli %arg1, %mul3A : i32
    %add3A = arith.addi %mul3A_0, %arg0 : i32
    %mul3A_1 = arith.constant 128 : i32
    %mul3A_2 = arith.muli %add3A, %mul3A_1 : i32
    "tpu.region"() ({
      %run_scoped3A = tpu.sem_alloc : memref<!tpu.dma_semaphore, #tpu.memory_space<semaphore_mem>>
      %dma_start3A_9 = tpu.memref_slice %arg3[%mul3A_2] : memref<4096xi32, #tpu.memory_space<hbm>> -> memref<128xi32, #tpu.memory_space<hbm>>
      %dma_start3A_10 = tpu.memref_slice %arg3[%mul3A_2] : memref<4096xi32, #tpu.memory_space<hbm>> -> memref<128xi32, #tpu.memory_space<hbm>>
      tpu.enqueue_dma source(%dma_start3A_10 : memref<128xi32, #tpu.memory_space<hbm>>) target(%arg6 : memref<128xi32, #tpu.memory_space<vmem>>) target_semaphore(%run_scoped3A : memref<!tpu.dma_semaphore, #tpu.memory_space<semaphore_mem>>)
      %dma_wait3A_11 = tpu.memref_slice %arg3[%mul3A_2] : memref<4096xi32, #tpu.memory_space<hbm>> -> memref<128xi32, #tpu.memory_space<hbm>>
      %dma_wait3A_12 = tpu.memref_slice %arg3[%mul3A_2] : memref<4096xi32, #tpu.memory_space<hbm>> -> memref<128xi32, #tpu.memory_space<hbm>>
      tpu.wait_dma2 semaphore(%run_scoped3A : memref<!tpu.dma_semaphore, #tpu.memory_space<semaphore_mem>>) src(%dma_wait3A_12 : memref<128xi32, #tpu.memory_space<hbm>>) dst(%arg6 : memref<128xi32, #tpu.memory_space<vmem>>)
      tpu.yield
    }) : () -> ()
    "tpu.region"() ({
      %run_scoped3A = tpu.sem_alloc : memref<!tpu.dma_semaphore, #tpu.memory_space<semaphore_mem>>
      %dma_start3A_9 = arith.constant 0 : i32
      %dma_start3A_10 = tpu.memref_slice %arg4[%mul3A_2, %dma_start3A_9] : memref<4096x128xf32, #tpu.memory_space<hbm>> -> memref<128x128xf32, #tpu.memory_space<hbm>>
      %dma_start3A_11 = arith.constant 0 : i32
      %dma_start3A_12 = tpu.memref_slice %arg4[%mul3A_2, %dma_start3A_11] : memref<4096x128xf32, #tpu.memory_space<hbm>> -> memref<128x128xf32, #tpu.memory_space<hbm>>
      tpu.enqueue_dma source(%dma_start3A_12 : memref<128x128xf32, #tpu.memory_space<hbm>>) target(%arg7 : memref<128x128xf32, #tpu.memory_space<vmem>>) target_semaphore(%run_scoped3A : memref<!tpu.dma_semaphore, #tpu.memory_space<semaphore_mem>>)
      %dma_wait3A_13 = arith.constant 0 : i32
      %dma_wait3A_14 = tpu.memref_slice %arg4[%mul3A_2, %dma_wait3A_13] : memref<4096x128xf32, #tpu.memory_space<hbm>> -> memref<128x128xf32, #tpu.memory_space<hbm>>
      %dma_wait3A_15 = arith.constant 0 : i32
      %dma_wait3A_16 = tpu.memref_slice %arg4[%mul3A_2, %dma_wait3A_15] : memref<4096x128xf32, #tpu.memory_space<hbm>> -> memref<128x128xf32, #tpu.memory_space<hbm>>
      tpu.wait_dma2 semaphore(%run_scoped3A : memref<!tpu.dma_semaphore, #tpu.memory_space<semaphore_mem>>) src(%dma_wait3A_16 : memref<128x128xf32, #tpu.memory_space<hbm>>) dst(%arg7 : memref<128x128xf32, #tpu.memory_space<vmem>>)
      tpu.yield
    }) : () -> ()
    %dma_start3A = arith.constant 0 : i32
    %dma_start3A_3 = arith.constant 0 : i32
    %dma_start3A_4 = tpu.memref_slice %arg2[%dma_start3A, %dma_start3A_3] : memref<100000x128xf32, #tpu.memory_space<hbm>> -> memref<100000x128xf32, #tpu.memory_space<hbm>>
    tpu.enqueue_indirect_dma source(%arg7 : memref<128x128xf32, #tpu.memory_space<vmem>>) target(%dma_start3A_4 : memref<100000x128xf32, #tpu.memory_space<hbm>>) offsets(%arg6 : memref<128xi32, #tpu.memory_space<vmem>>) semaphore(%arg8 : memref<!tpu.dma_semaphore, #tpu.memory_space<semaphore_mem>>)
    %dma_wait3A = arith.constant 0 : i32
    %dma_wait3A_5 = arith.constant 0 : i32
    %dma_wait3A_6 = tpu.memref_slice %arg2[%dma_wait3A, %dma_wait3A_5] : memref<100000x128xf32, #tpu.memory_space<hbm>> -> memref<100000x128xf32, #tpu.memory_space<hbm>>
    tpu.wait_indirect_dma semaphore(%arg8 : memref<!tpu.dma_semaphore, #tpu.memory_space<semaphore_mem>>) src(%arg7 : memref<128x128xf32, #tpu.memory_space<vmem>>) dst(%dma_wait3A_6 : memref<100000x128xf32, #tpu.memory_space<hbm>>)
    %eq3A = arith.constant 0 : i32
    %eq3A_7 = arith.cmpi eq, %add3A, %eq3A : i32
    %convert_element_type3A = arith.extui %eq3A_7 : i1 to i32
    %cond3A = arith.constant 0 : i32
    %cond3A_8 = arith.cmpi ne, %convert_element_type3A, %cond3A : i32
    scf.if %cond3A_8 {
      "tpu.region"() ({
        %run_scoped3A = tpu.sem_alloc : memref<!tpu.dma_semaphore, #tpu.memory_space<semaphore_mem>>
        tpu.enqueue_dma source(%arg6 : memref<128xi32, #tpu.memory_space<vmem>>) target(%arg5 : memref<128xi32, #tpu.memory_space<hbm>>) target_semaphore(%run_scoped3A : memref<!tpu.dma_semaphore, #tpu.memory_space<semaphore_mem>>)
        tpu.wait_dma2 semaphore(%run_scoped3A : memref<!tpu.dma_semaphore, #tpu.memory_space<semaphore_mem>>) src(%arg6 : memref<128xi32, #tpu.memory_space<vmem>>) dst(%arg5 : memref<128xi32, #tpu.memory_space<hbm>>)
        tpu.yield
      }) : () -> ()
    } else {
    }
    return
  }
}

module attributes {stable_mosaic.version = 14 : i64} {
  func.func @_lead_body(%arg0: i32, %arg1: memref<10000x128xf32, #tpu.memory_space<vmem>>, %arg2: memref<10000x128xf32, #tpu.memory_space<vmem>>) attributes {dimension_semantics = [#tpu.dimension_semantics<arbitrary>], iteration_bounds = array<i64: 2>, scalar_prefetch = 0 : i64, scratch_operands = 0 : i64, tpu.core_type = #tpu.core_type<tc>, window_params = [{transform_indices = @transform_0, window_bounds = array<i64: 10000, 128>}, {transform_indices = @transform_1, window_bounds = array<i64: 10000, 128>}]} {
    %get3A = arith.constant 0 : index
    %get3A_0 = arith.constant 0 : index
    %get3A_1 = vector.load %arg1[%get3A, %get3A_0] : memref<10000x128xf32, #tpu.memory_space<vmem>>, vector<10000x128xf32>
    %swap3A = arith.constant 0 : index
    %swap3A_2 = arith.constant 0 : index
    %swap3A_3 = vector.load %arg2[%swap3A, %swap3A_2] : memref<10000x128xf32, #tpu.memory_space<vmem>>, vector<10000x128xf32>
    tpu.vector_store %arg2[%swap3A, %swap3A_2], %get3A_1 {strides = array<i32>} : memref<10000x128xf32, #tpu.memory_space<vmem>>, vector<10000x128xf32>,
    return
  }
  func.func @transform_0(%arg0: i32) -> (i32, i32) {
    %c0_i32 = arith.constant 0 : i32
    %c0_i32_0 = arith.constant 0 : i32
    return %arg0, %c0_i32 : i32, i32
  }
  func.func @transform_1(%arg0: i32) -> (i32, i32) {
    %c0_i32 = arith.constant 0 : i32
    %c0_i32_0 = arith.constant 0 : i32
    return %arg0, %c0_i32 : i32, i32
  }
}

module attributes {stable_mosaic.version = 14 : i64} {
  func.func @_fused_body(%arg0: i32, %arg1: memref<4096x1xi32, #tpu.memory_space<vmem>>, %arg2: memref<1x4096xi32, #tpu.memory_space<vmem>>, %arg3: memref<4096x128xf32, #tpu.memory_space<vmem>>, %arg4: memref<4096x128xf32, #tpu.memory_space<vmem>>, %arg5: memref<10000x128xf32, #tpu.memory_space<vmem>>, %arg6: memref<100000x128xf32, #tpu.memory_space<any>>, %arg7: memref<4096x1xf32, #tpu.memory_space<vmem>>, %arg8: memref<4096x128xf32, #tpu.memory_space<vmem>>, %arg9: memref<10000x128xf32, #tpu.memory_space<vmem>>) attributes {dimension_semantics = [#tpu.dimension_semantics<arbitrary>], iteration_bounds = array<i64: 8>, scalar_prefetch = 0 : i64, scratch_operands = 0 : i64, tpu.core_type = #tpu.core_type<tc>, window_params = [{pipeline_mode = #tpu.pipeline_mode<synchronous>, transform_indices = @transform_0, window_bounds = array<i64: 4096, 1>}, {pipeline_mode = #tpu.pipeline_mode<synchronous>, transform_indices = @transform_1, window_bounds = array<i64: 1, 4096>}, {pipeline_mode = #tpu.pipeline_mode<synchronous>, transform_indices = @transform_2, window_bounds = array<i64: 4096, 128>}, {pipeline_mode = #tpu.pipeline_mode<synchronous>, transform_indices = @transform_3, window_bounds = array<i64: 4096, 128>}, {transform_indices = @transform_4, window_bounds = array<i64: 10000, 128>}, {}, {pipeline_mode = #tpu.pipeline_mode<synchronous>, transform_indices = @transform_6, window_bounds = array<i64: 4096, 1>}, {pipeline_mode = #tpu.pipeline_mode<synchronous>, transform_indices = @transform_7, window_bounds = array<i64: 4096, 128>}, {transform_indices = @transform_8, window_bounds = array<i64: 10000, 128>}]} {
    %get3A = arith.constant 0 : index
    %get3A_0 = arith.constant 0 : index
    %get3A_1 = vector.load %arg5[%get3A, %get3A_0] : memref<10000x128xf32, #tpu.memory_space<vmem>>, vector<10000x128xf32>
    %swap3A = arith.constant 0 : index
    %swap3A_2 = arith.constant 0 : index
    %swap3A_3 = vector.load %arg9[%swap3A, %swap3A_2] : memref<10000x128xf32, #tpu.memory_space<vmem>>, vector<10000x128xf32>
    tpu.vector_store %arg9[%swap3A, %swap3A_2], %get3A_1 {strides = array<i32>} : memref<10000x128xf32, #tpu.memory_space<vmem>>, vector<10000x128xf32>,
    %lt3A = arith.constant 8 : i32
    %lt3A_4 = arith.cmpi slt, %arg0, %lt3A : i32
    %convert_element_type3A = arith.extui %lt3A_4 : i1 to i32
    %cond3A = arith.constant 0 : i32
    %cond3A_5 = arith.cmpi ne, %convert_element_type3A, %cond3A : i32
    scf.if %cond3A_5 {
      %get3A_6 = arith.constant 0 : index
      %get3A_7 = arith.constant 0 : index
      %get3A_8 = vector.load %arg2[%get3A_6, %get3A_7] : memref<1x4096xi32, #tpu.memory_space<vmem>>, vector<1x4096xi32>
      %mul3A = arith.constant 512 : i32
      %mul3A_9 = arith.muli %arg0, %mul3A : i32
      %get3A_10 = arith.index_cast %mul3A_9 : i32 to index
      %get3A_11 = arith.constant 0 : index
      %get3A_12 = vector.load %arg1[%get3A_10, %get3A_11] : memref<4096x1xi32, #tpu.memory_space<vmem>>, vector<512x1xi32>
      %eq3A = vector.broadcast %get3A_12 : vector<512x1xi32> to vector<512x4096xi32>
      %eq3A_13 = vector.broadcast %get3A_8 : vector<1x4096xi32> to vector<512x4096xi32>
      %eq3A_14 = arith.cmpi eq, %eq3A, %eq3A_13 : vector<512x4096xi32>
      %convert_element_type3A_15 = arith.extui %eq3A_14 : vector<512x4096xi1> to vector<512x4096xi32>
      %convert_element_type3A_16 = arith.sitofp %convert_element_type3A_15 : vector<512x4096xi32> to vector<512x4096xf32>
      %reduce_sum3A = arith.constant dense<0.000000e+00> : vector<512xf32>
      %reduce_sum3A_17 = vector.multi_reduction <add>, %convert_element_type3A_16, %reduce_sum3A [1] : vector<512x4096xf32> to vector<512xf32>
      %broadcast_in_dim3A = vector.shape_cast %reduce_sum3A_17 : vector<512xf32> to vector<512x1xf32>
      %get3A_18 = arith.constant 0 : index
      %get3A_19 = arith.constant 0 : index
      %get3A_20 = vector.load %arg4[%get3A_18, %get3A_19] : memref<4096x128xf32, #tpu.memory_space<vmem>>, vector<4096x128xf32>
      %get3A_21 = arith.constant 0 : index
      %get3A_22 = arith.constant 0 : index
      %get3A_23 = vector.load %arg3[%get3A_21, %get3A_22] : memref<4096x128xf32, #tpu.memory_space<vmem>>, vector<4096x128xf32>
      %sub3A = arith.subf %get3A_20, %get3A_23 : vector<4096x128xf32>
      %dot_general3A = arith.constant dense<0.000000e+00> : vector<512x128xf32>
      %dot_general3A_24 = tpu.matmul %convert_element_type3A_16, %sub3A, %dot_general3A {dimension_numbers = #tpu.dot_dimension_numbers<[1], [0], [0], [1], [0, 0, 1, 1], [], []>, transpose_lhs_hint = false} : vector<512x4096xf32>, vector<4096x128xf32>, vector<512x128xf32> -> vector<512x128xf32>
      %add3A = arith.constant 1.000000e+00 : f32
      %add3A_25 = vector.broadcast %add3A : f32 to vector<512x1xf32>
      %add3A_26 = arith.addf %add3A_25, %broadcast_in_dim3A : vector<512x1xf32>
      %div3A = arith.constant 5.000000e-01 : f32
      %div3A_27 = vector.broadcast %div3A : f32 to vector<512x1xf32>
      %div3A_28 = arith.divf %div3A_27, %add3A_26 : vector<512x1xf32>
      %get3A_29 = arith.index_cast %mul3A_9 : i32 to index
      %get3A_30 = arith.constant 0 : index
      %get3A_31 = vector.load %arg4[%get3A_29, %get3A_30] : memref<4096x128xf32, #tpu.memory_space<vmem>>, vector<512x128xf32>
      %mul3A_32 = vector.broadcast %div3A_28 : vector<512x1xf32> to vector<512x128xf32>
      %mul3A_33 = arith.mulf %mul3A_32, %dot_general3A_24 : vector<512x128xf32>
      %sub3A_34 = arith.subf %get3A_31, %mul3A_33 : vector<512x128xf32>
      %swap3A_35 = arith.index_cast %mul3A_9 : i32 to index
      %swap3A_36 = arith.constant 0 : index
      %swap3A_37 = vector.load %arg8[%swap3A_35, %swap3A_36] : memref<4096x128xf32, #tpu.memory_space<vmem>>, vector<512x128xf32>
      tpu.vector_store %arg8[%swap3A_35, %swap3A_36], %sub3A_34 {strides = array<i32>} : memref<4096x128xf32, #tpu.memory_space<vmem>>, vector<512x128xf32>,
      %get3A_38 = arith.index_cast %mul3A_9 : i32 to index
      %get3A_39 = arith.constant 0 : index
      %get3A_40 = vector.load %arg3[%get3A_38, %get3A_39] : memref<4096x128xf32, #tpu.memory_space<vmem>>, vector<512x128xf32>
      %sub3A_41 = arith.subf %get3A_40, %get3A_31 : vector<512x128xf32>
      %mul3A_42 = arith.mulf %sub3A_41, %sub3A_41 : vector<512x128xf32>
      %reduce_sum3A_43 = arith.constant dense<0.000000e+00> : vector<512xf32>
      %reduce_sum3A_44 = vector.multi_reduction <add>, %mul3A_42, %reduce_sum3A_43 [1] : vector<512x128xf32> to vector<512xf32>
      %broadcast_in_dim3A_45 = vector.shape_cast %reduce_sum3A_44 : vector<512xf32> to vector<512x1xf32>
      %swap3A_46 = arith.index_cast %mul3A_9 : i32 to index
      %swap3A_47 = arith.constant 0 : index
      %swap3A_48 = vector.load %arg7[%swap3A_46, %swap3A_47] : memref<4096x1xf32, #tpu.memory_space<vmem>>, vector<512x1xf32>
      tpu.vector_store %arg7[%swap3A_46, %swap3A_47], %broadcast_in_dim3A_45 {strides = array<i32>} : memref<4096x1xf32, #tpu.memory_space<vmem>>, vector<512x1xf32>,
    } else {
    }
    return
  }
  func.func @transform_0(%arg0: i32) -> (i32, i32) {
    %c0_i32 = arith.constant 0 : i32
    %c0_i32_0 = arith.constant 0 : i32
    %c0_i32_1 = arith.constant 0 : i32
    return %c0_i32, %c0_i32_0 : i32, i32
  }
  func.func @transform_1(%arg0: i32) -> (i32, i32) {
    %c0_i32 = arith.constant 0 : i32
    %c0_i32_0 = arith.constant 0 : i32
    %c0_i32_1 = arith.constant 0 : i32
    return %c0_i32, %c0_i32_0 : i32, i32
  }
  func.func @transform_2(%arg0: i32) -> (i32, i32) {
    %c0_i32 = arith.constant 0 : i32
    %c0_i32_0 = arith.constant 0 : i32
    %c0_i32_1 = arith.constant 0 : i32
    return %c0_i32, %c0_i32_0 : i32, i32
  }
  func.func @transform_3(%arg0: i32) -> (i32, i32) {
    %c0_i32 = arith.constant 0 : i32
    %c0_i32_0 = arith.constant 0 : i32
    %c0_i32_1 = arith.constant 0 : i32
    return %c0_i32, %c0_i32_0 : i32, i32
  }
  func.func @transform_4(%arg0: i32) -> (i32, i32) {
    %add3A = arith.constant 2 : i32
    %add3A_0 = arith.addi %arg0, %add3A : i32
    %c0_i32 = arith.constant 0 : i32
    %c0_i32_1 = arith.constant 0 : i32
    return %add3A_0, %c0_i32 : i32, i32
  }
  func.func @transform_6(%arg0: i32) -> (i32, i32) {
    %c0_i32 = arith.constant 0 : i32
    %c0_i32_0 = arith.constant 0 : i32
    %c0_i32_1 = arith.constant 0 : i32
    return %c0_i32, %c0_i32_0 : i32, i32
  }
  func.func @transform_7(%arg0: i32) -> (i32, i32) {
    %c0_i32 = arith.constant 0 : i32
    %c0_i32_0 = arith.constant 0 : i32
    %c0_i32_1 = arith.constant 0 : i32
    return %c0_i32, %c0_i32_0 : i32, i32
  }
  func.func @transform_8(%arg0: i32) -> (i32, i32) {
    %add3A = arith.constant 2 : i32
    %add3A_0 = arith.addi %arg0, %add3A : i32
    %c0_i32 = arith.constant 0 : i32
    %c0_i32_1 = arith.constant 0 : i32
    return %add3A_0, %c0_i32 : i32, i32
  }
}

</mosaic_0001>

<sc_bundles>
// kernel: kernel.6.cloned.1.call-start
scs
__scs_entry_jumppad:
0x0: {  	(pc) =	sbr.rel $0x88, $3  }
0x1: {  	(tag) =	ssettag $0x0;
	lr =	simm.s32 $0x1  }
0x2: {  	[smem:$0x3F9E] =	sst lr;
	_ =	strace $0xD0000000  }
0x3: {  	_ = 	snop  }
0x4: {  	_ = 	snop  }
0x5: {  	_ = 	snop  }
0x6: {  	_ = 	snop  }
0x7: {  	_ = 	snop  }
__scs_overlays_trampoline_lowered:
0x8: {  	[smem:$0x3FAD] =	sst s0  }
0x9: {  	[smem:$0x3FAE] =	sst s1  }
0xa: {  	[smem:$0x3FAF] =	sst s2  }
0xb: {  	[smem:$0x3FB0] =	sst s3  }
0xc: {  	[smem:$0x3FB1] =	sst s4  }
0xd: {  	[smem:$0x3FB2] =	sst s5  }
0xe: {  	[smem:$0x3FB3] =	sst s6  }
0xf: {  	[smem:$0x3FB4] =	sst s7  }
0x10: {  	[smem:$0x3FB5] =	sst s8  }
0x11: {  	[smem:$0x3FB6] =	sst s9;
	s0 =	simm.s32 @!p0 $0x0  }
0x12: {  	s1 =	sld [smem:$0x3F9C];
	s0 =	simm.s32 @p0 $0x1  }
0x13: {  	[smem:$0x3FB7] =	sst s0;
	s0 =	simm.s32 @!p1 $0x0  }
0x14: {  	s2 =	sld [smem:$0x3F9B];
	s0 =	simm.s32 @p1 $0x1  }
0x15: {  	[smem:$0x3FB8] =	sst s0;
	s0 =	simm.s32 @!p2 $0x0  }
0x16: {  	s3 =	sld [smem:$0x3FDB];
	s0 =	simm.s32 @p2 $0x1  }
0x17: {  	s4 =	simm.s32 $0x1BF5;
	[smem:$0x3FBA] =	sst s0  }
0x18: {  	s0 =	sld [smem:$0x3F9D];
	_ =	swait.ge [sflag:s4], $0x0  }
0x19: {  	s7 =	sld [smem:$0x3F9E]  }
0x1a: {  	s8 =	sadd.s32 $0xFFFFE003, lr  }
0x1b: {  	s9 =	sadd.s32 $0xFFFFFEF7, lr;
	s5 =	simm.s32 $0xFFFFFFFF;
	p2 =	slt.u32 s8, $0xFFFFF086  }
0x1c: {  	p1 =	slt.u32 s9, $0xF7A;
	s5 =	simm.s32 @!p2 $0x0  }
0x1d: {  	s5 =	simm.s32 @p1 $0x1;
	p0 =	seq.s32 s7, s2  }
0x1e: {  	s7 =	smul.u32 @!p0 $0xF7A, s2;
	p2 =	seq.s32 @!p0 s5, $0x0  }
0x1f: {  	s9 =	smul.u32 $0xF7A, s1;
	s8 =	simm.s32 @!p0 $0x1BF5;
	p2 =	por !p2, p0  }
0x20: {  	[sflag:s8] =	ssyncset.s32 @!p0 $0xFFFFF086;
	s6 =	sadd.s32 @!p0 s3, s7;
	s7 =	simm.s32 @!p0 $0x108  }
0x21: {  	s3 =	sadd.s32 s3, s9;
	s6 =	sadd.s32 @!p0 $0x88, s6;
	s7 =	simm.s32 @p2 $0x1082  }
0x22: {  	[simem:s7], [sflag:s8] =	dma.local @!p0 [hbm:s6], $0xF7A  }
0x23: {  	s9 =	sor.u32 $0xD0000000, s2;
	s6 =	simm.s32 $0x108;
	_ =	swait.ge @!p0 [sflag:s8], $0x0  }
0x24: {  	s3 =	sadd.s32 $0x88, s3;
	s6 =	simm.s32 @!p1 $0x1082;
	[sflag:s4] =	ssyncset.s32 $0xFFFFF086  }
0x25: {  	[simem:s6], [sflag:s4] =	dma.local [hbm:s3], $0xF7A  }
0x26: {  	[smem:$0x3F9E] =	sst s1;
	(tag) =	ssettag s2;
	_ =	strace s9  }
0x27: {  	s1 =	sld [smem:$0x3FAE]  }
0x28: {  	s2 =	sld [smem:$0x3FAF]  }
0x29: {  	s4 =	sld [smem:$0x3FB1]  }
0x2a: {  	p0 =	seq.s32 s5, $0x0;
	s5 =	sld [smem:$0x3FB2]  }
0x2b: {  	s6 =	sld [smem:$0x3FB3]  }
0x2c: {  	s7 =	sld [smem:$0x3FB4]  }
0x2d: {  	s3 =	simm.s32 $0x108;
	s8 =	sld [smem:$0x3FB5]  }
0x2e: {  	s3 =	simm.s32 @!p0 $0x1082;
	s9 =	sld [smem:$0x3FB6]  }
0x2f: {  	lr =	sadd.s32 s0, s3;
	s0 =	sld [smem:$0x3FAD]  }
0x30: {  	s3 =	sld [smem:$0x3FB0]  }
0x31: {  	[smem:$0x3FB9] =	sst s10  }
0x32: {  	s10 =	sld [smem:$0x3FB7];
	_ =	sdelay $0x3  }
0x33: {  	p0 =	seq.s32 s10, $0x1;
	s10 =	sld [smem:$0x3FB9];
	_ =	sdelay $0x3  }
0x34: {  	[smem:$0x3FB9] =	sst s10  }
0x35: {  	s10 =	sld [smem:$0x3FB8];
	_ =	sdelay $0x3  }
0x36: {  	p1 =	seq.s32 s10, $0x1;
	s10 =	sld [smem:$0x3FB9];
	_ =	sdelay $0x3  }
0x37: {  	[smem:$0x3FB9] =	sst s10  }
0x38: {  	s10 =	sld [smem:$0x3FBA]  }
0x39: {  	_ = 	snop;
	(pc) =	sbr.ind lr, $3  }
0x3a: {  	_ = 	snop  }
0x3b: {  	_ = 	snop  }
0x3c: {  	p2 =	seq.s32 s10, $0x1;
	s10 =	sld [smem:$0x3FB9]  }
0x3d: {  	_ =	shalt  }
0x3e: {  	_ =	shalt  }
0x3f: {  	_ =	shalt  }
0x40: {  	_ =	shalt  }
0x41: {  	_ =	shalt  }
0x42: {  	_ =	shalt  }
0x43: {  	_ =	shalt  }
0x44: {  	_ =	shalt  }
0x45: {  	_ =	shalt  }
0x46: {  	_ =	shalt  }
0x47: {  	_ =	shalt  }
0x48: {  	_ =	shalt  }
0x49: {  	_ =	shalt  }
0x4a: {  	_ =	shalt  }
0x4b: {  	_ =	shalt  }
0x4c: {  	_ =	shalt  }
0x4d: {  	_ =	shalt  }
0x4e: {  	_ =	shalt  }
0x4f: {  	_ =	shalt  }
0x50: {  	_ =	shalt  }
0x51: {  	_ =	shalt  }
0x52: {  	_ =	shalt  }
0x53: {  	_ =	shalt  }
0x54: {  	_ =	shalt  }
0x55: {  	_ =	shalt  }
0x56: {  	_ =	shalt  }
0x57: {  	_ =	shalt  }
0x58: {  	_ =	shalt  }
0x59: {  	_ =	shalt  }
0x5a: {  	_ =	shalt  }
0x5b: {  	_ =	shalt  }
0x5c: {  	_ =	shalt  }
0x5d: {  	_ =	shalt  }
0x5e: {  	_ =	shalt  }
0x5f: {  	_ =	shalt  }
0x60: {  	_ =	shalt  }
0x61: {  	_ =	shalt  }
0x62: {  	_ =	shalt  }
0x63: {  	_ =	shalt  }
0x64: {  	_ =	shalt  }
0x65: {  	_ =	shalt  }
0x66: {  	_ =	shalt  }
0x67: {  	_ =	shalt  }
0x68: {  	_ =	shalt  }
0x69: {  	_ =	shalt  }
0x6a: {  	_ =	shalt  }
0x6b: {  	_ =	shalt  }
0x6c: {  	_ =	shalt  }
0x6d: {  	_ =	shalt  }
0x6e: {  	_ =	shalt  }
0x6f: {  	_ =	shalt  }
0x70: {  	_ =	shalt  }
0x71: {  	_ =	shalt  }
0x72: {  	_ =	shalt  }
0x73: {  	_ =	shalt  }
0x74: {  	_ =	shalt  }
0x75: {  	_ =	shalt  }
0x76: {  	_ =	shalt  }
0x77: {  	_ =	shalt  }
0x78: {  	_ =	shalt  }
0x79: {  	_ =	shalt  }
0x7a: {  	_ =	shalt  }
0x7b: {  	_ =	shalt  }
0x7c: {  	_ =	shalt  }
0x7d: {  	_ =	shalt  }
0x7e: {  	_ =	shalt  }
0x7f: {  	_ =	shalt  }
0x80: {  	_ =	shalt  }
0x81: {  	_ =	shalt  }
0x82: {  	_ =	shalt  }
0x83: {  	_ =	shalt  }
0x84: {  	_ =	shalt  }
0x85: {  	_ =	shalt  }
0x86: {  	_ =	shalt  }
0x87: {  	_ =	shalt  }
.Lfunc_end0:
.L_simem_size_0:
called_computation_lowered:
.L_overlay_start_0:
0x88: {  	s2 =	sld [smem:$0x3FD9]  }
0x89: {  	s3 =	sld [smem:$0x3FFE];
	_ =	sdelay $0x1  }
0x8a: {  	s1 =	srdreg.scid  }
0x8b: {  	s0 =	sand.u32 $0x1, s1  }
0x8c: {  	s17 =	sshll.u32 s0, $0xA;
	s2 =	sadd.s32 s3, s2  }
0x8d: {  	s2 =	sadd.s32 s2, s17  }
0x8e: {  	[smem:$0x3FC5] =	sst s2  }
0x8f: {  	_ = 	snop  }
0x90: {  	s2 =	sld [smem:$0x3FC8]  }
0x91: {  	s18 =	sld [smem:$0x3FC7];
	(tm) =	ssettm $0x1  }
0x92: {  	s4 =	sld [smem:$0x3FFB];
	_ =	sdelay $0x3  }
0x93: {  	_ =	strace s4  }
0x94: {  	s4 =	sld [smem:$0x3FFC];
	_ =	sdelay $0x3  }
0x95: {  	_ =	strace s4  }
0x96: {  	s4 =	sld [smem:$0x3FFD];
	_ =	sdelay $0x3  }
0x97: {  	_ =	strace s4  }
0x98: {  	_ =	strace $0x8FFFFFFF  }
0x99: {  	s19 =	sld [smem:$0x3FDB];
	_ =	sdelay $0x1  }
0x9a: {  	s5 =	simm.s32 $_scs_section_size  }
0x9b: {  	s6 =	simm.s32 $_size__tile_overlayer_lowered;
	s7 =	simm.s32 $_tile_overlayer_lowered  }
0x9c: {  	s22 =	simm.s32 $0x1BFF;
	s21 =	sshll.u32 s7, $0x1;
	s4 =	sadd.s32 s5, s19  }
0x9d: {  	s8 =	simm.s32 $0x0;
	s20 =	sshll.u32 s6, $0x1;
	s6 =	sadd.s32 s21, s4  }
0x9e: {  	[timem:s8], [sflag:s22] =	dma.local [hbm:s6], s20  }
0x9f: {  	_ =	swait.ge [sflag:s22], s20  }
0xa0: {  	s5 =	ssub.s32 $0x0, s20;
	[sflag:s22] =	ssyncset.done $0x0  }
0xa1: {  	[sflag:s22] =	ssyncadd.s32 s5;
	_ =	sdelay $0x1  }
0xa2: {  	s23 =	simm.s32 $0x1B8B  }
0xa3: {  	_ =	swait.ge [sflag:s23], $0x1  }
0xa4: {  	[sflag:s23] =	ssyncset.done $0x0  }
0xa5: {  	s25 =	simm.s32 $0x1B8E;
	s24 =	sld [smem:$0x3FFE];
	[sflag:s23] =	ssyncadd.s32 $0xFFFFFFFF  }
0xa6: {  	s26 =	simm.s32 $execute0_lowered;
	[smem:$0x3FD2] =	sst s25  }
0xa7: {  	s6 =	sshll.u32 s26, $0x1;
	_ =	strace $0x80000046;
	[dreg:$0x1] =	wrdreg $0xFFFFFFFF  }
0xa8: {  	s28 =	simm.s32 $_size_execute0_lowered;
	s4 =	sadd.s32 s4, s6;
	[dreg:$0x0] =	wrdreg $0x0  }
0xa9: {  	s6 =	sshll.u32 s28, $0x1;
	[dreg:$0x2] =	wrdreg s4  }
0xaa: {  	[dreg:$0x3] =	wrdreg s6  }
0xab: {  	[dreg:$0x4] =	wrdreg $0xC0  }
0xac: {  	_ =	task [dreg:s8], $0x5FFFF  }
0xad: {  	[dreg:$0x1] =	wrdreg $0xFFFFFFFF  }
0xae: {  	[dreg:$0x0] =	wrdreg $0x60  }
0xaf: {  	[dreg:$0x2] =	wrdreg s18  }
0xb0: {  	[dreg:$0x3] =	wrdreg s2  }
0xb1: {  	[dreg:$0x4] =	wrdreg s24  }
0xb2: {  	[dreg:$0x5] =	wrdreg $0x9  }
0xb3: {  	_ =	task.clear_ibuf [dreg:s8], $0x6FFFF;
	_ =	strace $0x90000046  }
0xb4: {  	s29 =	simm.s32 $0x9;
	_ =	strace $0x80000048  }
0xb5: {  	_ =	swait.ge [sflag:s29], $0x1  }
0xb6: {  	[sflag:s29] =	ssyncadd.s32 $0xFFFFFFFF  }
0xb7: {  	_ =	strace $0x90000048  }
0xb8: {  	_ =	sfence  }
0xb9: {  	s30 =	sld [smem:$0x0];
	_ =	sdelay $0x2  }
0xba: {  	s31 =	sshll.u32 s1, $0xD;
	s1 =	sshrl.u32 s1, $0x2  }
0xbb: {  	s3 =	sand.u32 $0x4000, s31;
	s1 =	sadd.s32 s1, s30  }
0xbc: {  	s0 =	sor.u32 s3, s0;
	s1 =	sshll.u32 s1, $0x11  }
0xbd: {  	s0 =	sor.u32 s1, s0  }
0xbe: {  	s0 =	sadd.s32 $0x8F2B, s0  }
0xbf: {  	[sflag:s0] =	ssyncadd.remote.s32 $0x1  }
0xc0: {  	_ =	sfence.sel $0xFFFF  }
0xc1: {  	[dreg:$0x0] =	wrdreg $0xFFFFFFFF;
	(pc) =	sbr.abs _section_cstart, $3  }
0xc2: {  	[dreg:$0x1] =	wrdreg $0xFFFFFFFF  }
0xc3: {  	_ =	task.clear_ibuf [dreg:s8], $0x2FFFF;
	_ =	strace $0x9FFFFFFF  }
0xc4: {  	(tm) =	ssettm $0x7FFFFFFF  }
0xc5: {  	_ =	shalt  }
tec
execute0_lowered:
.L_overlay_start_1:
0x0: {  	(tag) =	ssettag $0x1  }
0x1: {  	s1 =	rddreg [dreg:$0x0];
	s2 =	srdreg.scid  }
0x2: {  	s4 =	rddreg [dreg:$0x1];
	s0 =	stileid.u32  }
0x3: {  	s8 =	rddreg [dreg:$0x2];
	s3 =	simm.s32 $0x0;
	s6 =	sand.u32 $0x1, s2  }
0x4: {  	s5 =	sshll.u32 s0, $0x8;
	s2 =	rddreg [dreg:$0x3];
	s7 =	sshll.u32 s6, $0x7  }
0x5: {  	[smem:$0x7FF] =	sst s3;
	s9 =	sor.u32 s7, s5  }
0x6: {  	_ =	strace $0x80000047;
	s10 =	ssub.s32 $0x2, s6;
	s5 =	sshrl.u32 s9, $0x3  }
0x7: {  	s6 =	simm.s32 $0x80;
	s5 =	sadd.s32 s4, s5;
	s4 =	simm.s32 $0x2  }
0x8: {  	[tilespmem:s3], [sflag:$0x2] =	stream.linear.gather [hbm4b:s5+s3], $0x80, $0x38;
	[tilespmem:$0x4080] =	vst v63  }
0x9: {  	s7 =	simm.s32 $0x1;
	s11 =	sshrl.u32 s10, $0x1;
	_ =	swait.ge [sflag:s4], $0x80  }
0xa: {  	s9 =	sshll.u32 s9, $0x4;
	s31 =	ssub.s32 s10, s11;
	[sflag:s4] =	ssyncset.done $0x0  }
0xb: {  	s8 =	sadd.s32 s9, s8;
	s9 =	smax.u32 s31, $0x1;
	[sflag:s4] =	ssyncadd.s32 $0xFFFFFF80  }
0xc: {  	[tilespmem:s6], [sflag:$0x1] =	stream.indirect.gather [hbm4b:s1+s6], $0x80, s3, s6, $0xb8;
	[tilespmem:$0x4080] =	vst v63  }
0xd: {  	p0 =	sne.s32 s9, $0x1;
	_ =	swait.ge [sflag:s7], $0x4000  }
.Ltmp0:
0xe: {  	[sflag:s7] =	ssyncset.done $0x0;
	(pc) =	sbr.rel @!p0 .LBB2_2-.Ltmp0, $4  }
0xf: {  	s8 =	sadd.s32 $0x1200, s8;
	[sflag:s7] =	ssyncadd.s32 $0xFFFFC000  }
0x10: {  	[hbm4b:s8+s3] =	stream.linear.scatter [tilespmem:s6], [sflag:$0x2], $0x4000, $0x38;
	[tilespmem:$0x4080] =	vst v63  }
0x11: {  	_ =	swait.ge [sflag:s4], $0x4000  }
0x12: {  	s9 =	sadd.s32 $0xFFFFFFFF, s9;
	[sflag:s4] =	ssyncset.done $0x0  }
.LBB2_1:
0x13: {  	p0 =	sne.s32 s9, $0x1;
	s9 =	sadd.s32 $0xFFFFFFFF, s9;
	[sflag:s4] =	ssyncadd.s32 $0xFFFFC000  }
0x14: {  	[tilespmem:s3], [sflag:$0x2] =	stream.linear.gather [hbm4b:s5+s3], $0x80, $0x38;
	[tilespmem:$0x4080] =	vst v63  }
0x15: {  	_ =	swait.ge [sflag:s4], $0x80  }
0x16: {  	[sflag:s4] =	ssyncset.done $0x0  }
0x17: {  	[sflag:s4] =	ssyncadd.s32 $0xFFFFFF80  }
0x18: {  	[tilespmem:s6], [sflag:$0x1] =	stream.indirect.gather [hbm4b:s1+s6], $0x80, s3, s6, $0xb8;
	[tilespmem:$0x4080] =	vst v63  }
0x19: {  	_ =	swait.ge [sflag:s7], $0x4000  }
.Ltmp1:
0x1a: {  	[sflag:s7] =	ssyncset.done $0x0;
	(pc) =	sbr.rel @p0 .LBB2_1-.Ltmp1, $4  }
0x1b: {  	[sflag:s7] =	ssyncadd.s32 $0xFFFFC000  }
0x1c: {  	[hbm4b:s8+s3] =	stream.linear.scatter [tilespmem:s6], [sflag:$0x2], $0x4000, $0x38;
	[tilespmem:$0x4080] =	vst v63  }
0x1d: {  	_ =	swait.ge [sflag:s4], $0x4000  }
0x1e: {  	[sflag:s4] =	ssyncset.done $0x0  }
.LBB2_2:
0x1f: {  	[sflag:s4] =	ssyncadd.s32 $0xFFFFC000  }
0x20: {  	_ =	sfence.sel $0x180000  }
0x21: {  	[bflag:$0x0] =	sbarrier.arrive $0xFFFF  }
0x22: {  	p0 =	sne.s32 s0, $0x0;
	_ =	strace $0x90000047  }
0x23: {  	s0 =	sadd.s32 @!p0 $0x100000, s2;
	[bflag:$0x2] =	sbarrier.arrive $0xFFFF  }
0x24: {  	[sflag:s0] =	ssyncadd.tile.s32 @!p0 $0x1;
	_ =	shalt  }
.Lfunc_end2:
_tile_overlayer_lowered:
.L_overlay_start_2:
0x25: {  	(tag) =	ssettag $0x2  }
0x26: {  	s0 =	rddreg [dreg:$0x0];
	s2 =	stileid.u32  }
0x27: {  	s1 =	rddreg [dreg:$0x1];
	p0 =	sne.s32 s2, $0x0  }
0x28: {  	s3 =	rddreg [dreg:$0x2];
	[bflag:$0x3] =	sbarrier.arrive $0xFFFF;
	s2 =	simm.s32 @!p0 $0x1C02  }
0x29: {  	[timem:s3], [sflag:s2] =	dma.local @!p0 [hbm:s0], s1  }
0x2a: {  	s0 =	simm.s32 @!p0 $0x2  }
0x2b: {  	_ =	swait.ge @!p0 [sflag:s0], s1  }
0x2c: {  	s1 =	ssub.s32 @!p0 $0x0, s1;
	[sflag:s0] =	ssyncset.done @!p0 $0x0  }
0x2d: {  	[sflag:s0] =	ssyncadd.s32 @!p0 s1  }
0x2e: {  	[bflag:$0x3] =	sbarrier.arrive $0xFFFF  }
0x2f: {  	_ =	shalt  }

// kernel: kernel.9.cloned.1.call-start
scs
__scs_entry_jumppad:
0x0: {  	(pc) =	sbr.rel $0x88, $3  }
0x1: {  	(tag) =	ssettag $0x0;
	lr =	simm.s32 $0x1  }
0x2: {  	[smem:$0x3F9E] =	sst lr;
	_ =	strace $0xD0000000  }
0x3: {  	_ = 	snop  }
0x4: {  	_ = 	snop  }
0x5: {  	_ = 	snop  }
0x6: {  	_ = 	snop  }
0x7: {  	_ = 	snop  }
__scs_overlays_trampoline_lowered:
0x8: {  	[smem:$0x3FAD] =	sst s0  }
0x9: {  	[smem:$0x3FAE] =	sst s1  }
0xa: {  	[smem:$0x3FAF] =	sst s2  }
0xb: {  	[smem:$0x3FB0] =	sst s3  }
0xc: {  	[smem:$0x3FB1] =	sst s4  }
0xd: {  	[smem:$0x3FB2] =	sst s5  }
0xe: {  	[smem:$0x3FB3] =	sst s6  }
0xf: {  	[smem:$0x3FB4] =	sst s7  }
0x10: {  	[smem:$0x3FB5] =	sst s8  }
0x11: {  	[smem:$0x3FB6] =	sst s9;
	s0 =	simm.s32 @!p0 $0x0  }
0x12: {  	s1 =	sld [smem:$0x3F9C];
	s0 =	simm.s32 @p0 $0x1  }
0x13: {  	[smem:$0x3FB7] =	sst s0;
	s0 =	simm.s32 @!p1 $0x0  }
0x14: {  	s2 =	sld [smem:$0x3F9B];
	s0 =	simm.s32 @p1 $0x1  }
0x15: {  	[smem:$0x3FB8] =	sst s0;
	s0 =	simm.s32 @!p2 $0x0  }
0x16: {  	s3 =	sld [smem:$0x3FDB];
	s0 =	simm.s32 @p2 $0x1  }
0x17: {  	s4 =	simm.s32 $0x1BF5;
	[smem:$0x3FBA] =	sst s0  }
0x18: {  	s0 =	sld [smem:$0x3F9D];
	_ =	swait.ge [sflag:s4], $0x0  }
0x19: {  	s7 =	sld [smem:$0x3F9E]  }
0x1a: {  	s8 =	sadd.s32 $0xFFFFE003, lr  }
0x1b: {  	s9 =	sadd.s32 $0xFFFFFEF7, lr;
	s5 =	simm.s32 $0xFFFFFFFF;
	p2 =	slt.u32 s8, $0xFFFFF086  }
0x1c: {  	p1 =	slt.u32 s9, $0xF7A;
	s5 =	simm.s32 @!p2 $0x0  }
0x1d: {  	s5 =	simm.s32 @p1 $0x1;
	p0 =	seq.s32 s7, s2  }
0x1e: {  	s7 =	smul.u32 @!p0 $0xF7A, s2;
	p2 =	seq.s32 @!p0 s5, $0x0  }
0x1f: {  	s9 =	smul.u32 $0xF7A, s1;
	s8 =	simm.s32 @!p0 $0x1BF5;
	p2 =	por !p2, p0  }
0x20: {  	[sflag:s8] =	ssyncset.s32 @!p0 $0xFFFFF086;
	s6 =	sadd.s32 @!p0 s3, s7;
	s7 =	simm.s32 @!p0 $0x108  }
0x21: {  	s3 =	sadd.s32 s3, s9;
	s6 =	sadd.s32 @!p0 $0x88, s6;
	s7 =	simm.s32 @p2 $0x1082  }
0x22: {  	[simem:s7], [sflag:s8] =	dma.local @!p0 [hbm:s6], $0xF7A  }
0x23: {  	s9 =	sor.u32 $0xD0000000, s2;
	s6 =	simm.s32 $0x108;
	_ =	swait.ge @!p0 [sflag:s8], $0x0  }
0x24: {  	s3 =	sadd.s32 $0x88, s3;
	s6 =	simm.s32 @!p1 $0x1082;
	[sflag:s4] =	ssyncset.s32 $0xFFFFF086  }
0x25: {  	[simem:s6], [sflag:s4] =	dma.local [hbm:s3], $0xF7A  }
0x26: {  	[smem:$0x3F9E] =	sst s1;
	(tag) =	ssettag s2;
	_ =	strace s9  }
0x27: {  	s1 =	sld [smem:$0x3FAE]  }
0x28: {  	s2 =	sld [smem:$0x3FAF]  }
0x29: {  	s4 =	sld [smem:$0x3FB1]  }
0x2a: {  	p0 =	seq.s32 s5, $0x0;
	s5 =	sld [smem:$0x3FB2]  }
0x2b: {  	s6 =	sld [smem:$0x3FB3]  }
0x2c: {  	s7 =	sld [smem:$0x3FB4]  }
0x2d: {  	s3 =	simm.s32 $0x108;
	s8 =	sld [smem:$0x3FB5]  }
0x2e: {  	s3 =	simm.s32 @!p0 $0x1082;
	s9 =	sld [smem:$0x3FB6]  }
0x2f: {  	lr =	sadd.s32 s0, s3;
	s0 =	sld [smem:$0x3FAD]  }
0x30: {  	s3 =	sld [smem:$0x3FB0]  }
0x31: {  	[smem:$0x3FB9] =	sst s10  }
0x32: {  	s10 =	sld [smem:$0x3FB7];
	_ =	sdelay $0x3  }
0x33: {  	p0 =	seq.s32 s10, $0x1;
	s10 =	sld [smem:$0x3FB9];
	_ =	sdelay $0x3  }
0x34: {  	[smem:$0x3FB9] =	sst s10  }
0x35: {  	s10 =	sld [smem:$0x3FB8];
	_ =	sdelay $0x3  }
0x36: {  	p1 =	seq.s32 s10, $0x1;
	s10 =	sld [smem:$0x3FB9];
	_ =	sdelay $0x3  }
0x37: {  	[smem:$0x3FB9] =	sst s10  }
0x38: {  	s10 =	sld [smem:$0x3FBA]  }
0x39: {  	_ = 	snop;
	(pc) =	sbr.ind lr, $3  }
0x3a: {  	_ = 	snop  }
0x3b: {  	_ = 	snop  }
0x3c: {  	p2 =	seq.s32 s10, $0x1;
	s10 =	sld [smem:$0x3FB9]  }
0x3d: {  	_ =	shalt  }
0x3e: {  	_ =	shalt  }
0x3f: {  	_ =	shalt  }
0x40: {  	_ =	shalt  }
0x41: {  	_ =	shalt  }
0x42: {  	_ =	shalt  }
0x43: {  	_ =	shalt  }
0x44: {  	_ =	shalt  }
0x45: {  	_ =	shalt  }
0x46: {  	_ =	shalt  }
0x47: {  	_ =	shalt  }
0x48: {  	_ =	shalt  }
0x49: {  	_ =	shalt  }
0x4a: {  	_ =	shalt  }
0x4b: {  	_ =	shalt  }
0x4c: {  	_ =	shalt  }
0x4d: {  	_ =	shalt  }
0x4e: {  	_ =	shalt  }
0x4f: {  	_ =	shalt  }
0x50: {  	_ =	shalt  }
0x51: {  	_ =	shalt  }
0x52: {  	_ =	shalt  }
0x53: {  	_ =	shalt  }
0x54: {  	_ =	shalt  }
0x55: {  	_ =	shalt  }
0x56: {  	_ =	shalt  }
0x57: {  	_ =	shalt  }
0x58: {  	_ =	shalt  }
0x59: {  	_ =	shalt  }
0x5a: {  	_ =	shalt  }
0x5b: {  	_ =	shalt  }
0x5c: {  	_ =	shalt  }
0x5d: {  	_ =	shalt  }
0x5e: {  	_ =	shalt  }
0x5f: {  	_ =	shalt  }
0x60: {  	_ =	shalt  }
0x61: {  	_ =	shalt  }
0x62: {  	_ =	shalt  }
0x63: {  	_ =	shalt  }
0x64: {  	_ =	shalt  }
0x65: {  	_ =	shalt  }
0x66: {  	_ =	shalt  }
0x67: {  	_ =	shalt  }
0x68: {  	_ =	shalt  }
0x69: {  	_ =	shalt  }
0x6a: {  	_ =	shalt  }
0x6b: {  	_ =	shalt  }
0x6c: {  	_ =	shalt  }
0x6d: {  	_ =	shalt  }
0x6e: {  	_ =	shalt  }
0x6f: {  	_ =	shalt  }
0x70: {  	_ =	shalt  }
0x71: {  	_ =	shalt  }
0x72: {  	_ =	shalt  }
0x73: {  	_ =	shalt  }
0x74: {  	_ =	shalt  }
0x75: {  	_ =	shalt  }
0x76: {  	_ =	shalt  }
0x77: {  	_ =	shalt  }
0x78: {  	_ =	shalt  }
0x79: {  	_ =	shalt  }
0x7a: {  	_ =	shalt  }
0x7b: {  	_ =	shalt  }
0x7c: {  	_ =	shalt  }
0x7d: {  	_ =	shalt  }
0x7e: {  	_ =	shalt  }
0x7f: {  	_ =	shalt  }
0x80: {  	_ =	shalt  }
0x81: {  	_ =	shalt  }
0x82: {  	_ =	shalt  }
0x83: {  	_ =	shalt  }
0x84: {  	_ =	shalt  }
0x85: {  	_ =	shalt  }
0x86: {  	_ =	shalt  }
0x87: {  	_ =	shalt  }
.Lfunc_end0:
.L_simem_size_0:
called_computation.1_lowered:
.L_overlay_start_0:
0x88: {  	s2 =	sld [smem:$0x3FD9]  }
0x89: {  	s3 =	sld [smem:$0x3FFE];
	_ =	sdelay $0x1  }
0x8a: {  	s1 =	srdreg.scid  }
0x8b: {  	s0 =	sand.u32 $0x1, s1  }
0x8c: {  	s14 =	sshll.u32 s0, $0xA;
	s2 =	sadd.s32 s3, s2  }
0x8d: {  	s2 =	sadd.s32 s2, s14  }
0x8e: {  	[smem:$0x3FC5] =	sst s2  }
0x8f: {  	_ = 	snop  }
0x90: {  	s2 =	sld [smem:$0x3FD0];
	_ =	sdelay $0x2  }
0x91: {  	s4 =	simm.s32 $0xA;
	s5 =	simm.s32 $0x10;
	s15 =	sld [smem:$0x3FC8]  }
0x92: {  	[smem:s5], [sflag:s4] =	dma.local [hbm:s2], $0x1  }
0x93: {  	_ =	swait.eq [sflag:s4], $0x1  }
0x94: {  	[sflag:s4] =	ssyncset.done $0x0  }
0x95: {  	[sflag:s4] =	ssyncadd.s32 $0xFFFFFFFF  }
0x96: {  	s16 =	sld [smem:$0x11];
	(tm) =	ssettm $0x1  }
0x97: {  	s17 =	sld [smem:$0x3FFB];
	_ =	sdelay $0x3  }
0x98: {  	_ =	strace s17  }
0x99: {  	s4 =	sld [smem:$0x3FFC];
	_ =	sdelay $0x3  }
0x9a: {  	_ =	strace s4  }
0x9b: {  	s4 =	sld [smem:$0x3FFD];
	_ =	sdelay $0x3  }
0x9c: {  	_ =	strace s4  }
0x9d: {  	_ =	strace $0x8FFFFFFF  }
0x9e: {  	s18 =	sld [smem:$0x3FDB];
	_ =	sdelay $0x1  }
0x9f: {  	s19 =	simm.s32 $_scs_section_size  }
0xa0: {  	s6 =	simm.s32 $_size__tile_overlayer_lowered;
	s7 =	simm.s32 $_tile_overlayer_lowered  }
0xa1: {  	s22 =	simm.s32 $0x1BFF;
	s21 =	sshll.u32 s7, $0x1;
	s4 =	sadd.s32 s19, s18  }
0xa2: {  	s8 =	simm.s32 $0x0;
	s20 =	sshll.u32 s6, $0x1;
	s6 =	sadd.s32 s21, s4  }
0xa3: {  	[timem:s8], [sflag:s22] =	dma.local [hbm:s6], s20  }
0xa4: {  	_ =	swait.ge [sflag:s22], s20  }
0xa5: {  	s5 =	ssub.s32 $0x0, s20;
	[sflag:s22] =	ssyncset.done $0x0  }
0xa6: {  	[sflag:s22] =	ssyncadd.s32 s5;
	_ =	sdelay $0x1  }
0xa7: {  	s23 =	simm.s32 $0x1B8B  }
0xa8: {  	_ =	swait.ge [sflag:s23], $0x1  }
0xa9: {  	[sflag:s23] =	ssyncset.done $0x0  }
0xaa: {  	s25 =	simm.s32 $0x1B8E;
	s24 =	sld [smem:$0x3FFE];
	[sflag:s23] =	ssyncadd.s32 $0xFFFFFFFF  }
0xab: {  	s26 =	simm.s32 $execute0_lowered;
	[smem:$0x3FD2] =	sst s25  }
0xac: {  	s6 =	sshll.u32 s26, $0x1;
	_ =	strace $0x80000049;
	[dreg:$0x1] =	wrdreg $0xFFFFFFFF  }
0xad: {  	s28 =	simm.s32 $_size_execute0_lowered;
	s4 =	sadd.s32 s4, s6;
	[dreg:$0x0] =	wrdreg $0x0  }
0xae: {  	s6 =	sshll.u32 s28, $0x1;
	[dreg:$0x2] =	wrdreg s4  }
0xaf: {  	[dreg:$0x3] =	wrdreg s6  }
0xb0: {  	[dreg:$0x4] =	wrdreg $0xC0  }
0xb1: {  	_ =	task [dreg:s8], $0x5FFFF  }
0xb2: {  	[dreg:$0x1] =	wrdreg $0xFFFFFFFF  }
0xb3: {  	[dreg:$0x0] =	wrdreg $0x60  }
0xb4: {  	[dreg:$0x2] =	wrdreg s16  }
0xb5: {  	[dreg:$0x3] =	wrdreg s15  }
0xb6: {  	[dreg:$0x4] =	wrdreg s24  }
0xb7: {  	[dreg:$0x5] =	wrdreg $0x9  }
0xb8: {  	_ =	task.clear_ibuf [dreg:s8], $0x6FFFF;
	_ =	strace $0x90000049  }
0xb9: {  	s29 =	simm.s32 $0x9;
	_ =	strace $0x8000004B  }
0xba: {  	_ =	swait.ge [sflag:s29], $0x1  }
0xbb: {  	[sflag:s29] =	ssyncadd.s32 $0xFFFFFFFF  }
0xbc: {  	_ =	strace $0x9000004B  }
0xbd: {  	_ =	sfence  }
0xbe: {  	s30 =	sld [smem:$0x0];
	_ =	sdelay $0x2  }
0xbf: {  	s31 =	sshll.u32 s1, $0xD;
	s1 =	sshrl.u32 s1, $0x2  }
0xc0: {  	s3 =	sand.u32 $0x4000, s31;
	s1 =	sadd.s32 s1, s30  }
0xc1: {  	s0 =	sor.u32 s3, s0;
	s1 =	sshll.u32 s1, $0x11  }
0xc2: {  	s0 =	sor.u32 s1, s0  }
0xc3: {  	s0 =	sadd.s32 $0x8F2B, s0  }
0xc4: {  	[sflag:s0] =	ssyncadd.remote.s32 $0x1  }
0xc5: {  	_ =	sfence.sel $0xFFFF  }
0xc6: {  	[dreg:$0x0] =	wrdreg $0xFFFFFFFF;
	(pc) =	sbr.abs _section_cstart, $3  }
0xc7: {  	[dreg:$0x1] =	wrdreg $0xFFFFFFFF  }
0xc8: {  	_ =	task.clear_ibuf [dreg:s8], $0x2FFFF;
	_ =	strace $0x9FFFFFFF  }
0xc9: {  	(tm) =	ssettm $0x7FFFFFFF  }
tec
execute0_lowered:
.L_overlay_start_1:
0x0: {  	(tag) =	ssettag $0x1  }
0x1: {  	s2 =	rddreg [dreg:$0x0]  }
0x2: {  	s4 =	rddreg [dreg:$0x1]  }
0x3: {  	s1 =	srdreg.scid;
	s0 =	stileid.u32  }
0x4: {  	s9 =	rddreg [dreg:$0x2];
	s8 =	sand.u32 $0x1, s1;
	s5 =	sshll.u32 s0, $0x1  }
0x5: {  	s3 =	simm.s32 $0x0;
	s1 =	rddreg [dreg:$0x3];
	s10 =	sor.u32 s8, s5  }
0x6: {  	[smem:$0x7FF] =	sst s3;
	s5 =	sshll.u32 s10, $0x4  }
0x7: {  	_ =	strace $0x8000004A;
	s4 =	sadd.s32 s4, s5;
	s5 =	simm.s32 $0x2  }
0x8: {  	[tilespmem:s3], [sflag:$0x2] =	stream.linear.gather [hbm4b:s4+s3], $0x80, $0x38;
	[tilespmem:$0x4080] =	vst v63  }
0x9: {  	s7 =	simm.s32 $0x80;
	s6 =	sshll.u32 s10, $0xB;
	_ =	swait.ge [sflag:s5], $0x80  }
0xa: {  	s8 =	ssub.s32 $0x2, s8;
	s6 =	sadd.s32 s6, s9;
	[sflag:s5] =	ssyncset.done $0x0  }
0xb: {  	s11 =	sshrl.u32 s8, $0x1;
	s6 =	sadd.s32 $0x1200, s6;
	[sflag:s5] =	ssyncadd.s32 $0xFFFFFF80  }
0xc: {  	[tilespmem:s7], [sflag:$0x2] =	stream.linear.gather [hbm4b:s6+s3], $0x4000, $0x38;
	[tilespmem:$0x4080] =	vst v63  }
0xd: {  	s11 =	ssub.s32 s8, s11;
	_ =	swait.ge [sflag:s5], $0x4000  }
0xe: {  	s11 =	smax.u32 s11, $0x1;
	[sflag:s5] =	ssyncset.done $0x0  }
0xf: {  	s8 =	simm.s32 $0x1;
	s11 =	sadd.s32 $0xFFFFFFFF, s11;
	[sflag:s5] =	ssyncadd.s32 $0xFFFFC000  }
0x10: {  	[hbm4b:s2+s7] =	stream.indirect.scatter [tilespmem:s7], [sflag:$0x1], $0x80, s3, s7, $0xb8;
	[tilespmem:$0x4080] =	vst v63  }
0x11: {  	p0 =	sne.s32 s10, $0x0;
	p1 =	sne.s32 s11, $0x0;
	_ =	swait.ge [sflag:s8], $0x4000  }
.Ltmp0:
0x12: {  	s9 =	sadd.s32 $0x11200, s9;
	[sflag:s8] =	ssyncset.done $0x0;
	(pc) =	sbr.rel @!p1 .LBB2_2-.Ltmp0, $4  }
0x13: {  	s12 =	simm.s32 @!p0 $0x0;
	s10 =	simm.s32 @!p0 $0x2;
	[sflag:s8] =	ssyncadd.s32 $0xFFFFC000  }
0x14: {  	[hbm4b:s9+s12] =	stream.linear.scatter @!p0 [tilespmem:s12], [sflag:$0x2], $0x80, $0x38;
	[tilespmem:$0x4080] =	vst v63  }
0x15: {  	_ =	swait.ge @!p0 [sflag:s10], $0x80  }
0x16: {  	[sflag:s10] =	ssyncset.done @!p0 $0x0  }
.LBB2_1:
0x17: {  	s11 =	sadd.s32 $0xFFFFFFFF, s11;
	[sflag:s10] =	ssyncadd.s32 @!p0 $0xFFFFFF80  }
0x18: {  	[tilespmem:s3], [sflag:$0x2] =	stream.linear.gather [hbm4b:s4+s3], $0x80, $0x38;
	[tilespmem:$0x4080] =	vst v63  }
0x19: {  	p1 =	sne.s32 s11, $0x0;
	_ =	swait.ge [sflag:s5], $0x80  }
0x1a: {  	[sflag:s5] =	ssyncset.done $0x0  }
0x1b: {  	[sflag:s5] =	ssyncadd.s32 $0xFFFFFF80  }
0x1c: {  	[tilespmem:s7], [sflag:$0x2] =	stream.linear.gather [hbm4b:s6+s3], $0x4000, $0x38;
	[tilespmem:$0x4080] =	vst v63  }
0x1d: {  	_ =	swait.ge [sflag:s5], $0x4000  }
0x1e: {  	[sflag:s5] =	ssyncset.done $0x0  }
0x1f: {  	[sflag:s5] =	ssyncadd.s32 $0xFFFFC000  }
0x20: {  	[hbm4b:s2+s7] =	stream.indirect.scatter [tilespmem:s7], [sflag:$0x1], $0x80, s3, s7, $0xb8;
	[tilespmem:$0x4080] =	vst v63  }
0x21: {  	_ =	swait.ge [sflag:s8], $0x4000  }
.Ltmp1:
0x22: {  	[sflag:s8] =	ssyncset.done $0x0;
	(pc) =	sbr.rel @p1 .LBB2_1-.Ltmp1, $4  }
0x23: {  	[sflag:s8] =	ssyncadd.s32 $0xFFFFC000  }
0x24: {  	[hbm4b:s9+s12] =	stream.linear.scatter @!p0 [tilespmem:s12], [sflag:$0x2], $0x80, $0x38;
	[tilespmem:$0x4080] =	vst v63  }
0x25: {  	_ =	swait.ge @!p0 [sflag:s10], $0x80  }
0x26: {  	[sflag:s10] =	ssyncset.done @!p0 $0x0  }
.LBB2_2:
0x27: {  	[sflag:s10] =	ssyncadd.s32 @!p0 $0xFFFFFF80  }
0x28: {  	_ =	sfence.sel $0x180000  }
0x29: {  	[bflag:$0x0] =	sbarrier.arrive $0xFFFF  }
0x2a: {  	p0 =	sne.s32 s0, $0x0;
	_ =	strace $0x9000004A  }
0x2b: {  	s0 =	sadd.s32 @!p0 $0x100000, s1;
	[bflag:$0x2] =	sbarrier.arrive $0xFFFF  }
0x2c: {  	[sflag:s0] =	ssyncadd.tile.s32 @!p0 $0x1;
	_ =	shalt  }
.Lfunc_end2:
_tile_overlayer_lowered:
.L_overlay_start_2:
0x2d: {  	(tag) =	ssettag $0x2  }
0x2e: {  	s0 =	rddreg [dreg:$0x0];
	s2 =	stileid.u32  }
0x2f: {  	s1 =	rddreg [dreg:$0x1];
	p0 =	sne.s32 s2, $0x0  }
0x30: {  	s3 =	rddreg [dreg:$0x2];
	[bflag:$0x3] =	sbarrier.arrive $0xFFFF;
	s2 =	simm.s32 @!p0 $0x1C02  }
0x31: {  	[timem:s3], [sflag:s2] =	dma.local @!p0 [hbm:s0], s1  }
0x32: {  	s0 =	simm.s32 @!p0 $0x2  }
0x33: {  	_ =	swait.ge @!p0 [sflag:s0], s1  }
0x34: {  	s1 =	ssub.s32 @!p0 $0x0, s1;
	[sflag:s0] =	ssyncset.done @!p0 $0x0  }
0x35: {  	[sflag:s0] =	ssyncadd.s32 @!p0 s1  }
0x36: {  	[bflag:$0x3] =	sbarrier.arrive $0xFFFF  }
0x37: {  	_ =	shalt  }

</sc_bundles>
